<compile_context>
chip_gen: v7x
topology: tpu7x:2x2x1
jax: 0.10.2.dev20260603
libtpu: 0.0.44.dev20260713+nightly
codegen_flags: <defaults>
</compile_context>

<pallas_src>
import functools

import jax
import jax.numpy as jnp
from jax import lax
from jax.experimental import pallas as pl
from jax.experimental.pallas import tpu as pltpu
from jax.experimental.pallas import tpu_sc as plsc

VOCAB = 1000000
D = 32
BATCH = 16384
HIST = 50
HP = 64

_info = plsc.get_sparse_core_info()
_NC, _NS = _info.num_cores, _info.num_subcores
_NW = _NC * _NS
_NB = BATCH // _NW
_IDX_PER_W = _NB * HP
_CHT = 32
_CHR = _CHT * HP
_NCH = _NB // _CHT

_mesh = plsc.VectorSubcoreMesh(core_axis_name="c", subcore_axis_name="s")


@functools.partial(
    pl.kernel,
    mesh=_mesh,
    out_type=jax.ShapeDtypeStruct((BATCH * HP, D), jnp.float32),
    scratch_types=[
        pltpu.VMEM((_IDX_PER_W,), jnp.int32),
        pltpu.VMEM((_CHR, D), jnp.float32),
        pltpu.SemaphoreType.DMA,
    ],
    compiler_params=pltpu.CompilerParams(
        use_tc_tiling_on_sc=False, needs_layout_passes=False),
)
def _gather_rows(idx_hbm, table_hbm, out_hbm, idx_v, buf_v, gsem):
    wid = lax.axis_index("s") * _NC + lax.axis_index("c")
    r0 = wid * _IDX_PER_W
    pltpu.sync_copy(idx_hbm.at[pl.ds(r0, _IDX_PER_W)], idx_v)

    def chunk(c, carry):
        pltpu.async_copy(
            table_hbm.at[idx_v.at[pl.ds(c * _CHR, _CHR)]], buf_v, gsem).wait()
        pltpu.sync_copy(buf_v, out_hbm.at[pl.ds(r0 + c * _CHR, _CHR)])
        return carry

    lax.fori_loop(0, _NCH, chunk, 0)


_WB = 8192
_WG = (VOCAB + 4 * _WB - 1) // (4 * _WB)
_TROWS = 4 * _WG * _WB
_NWB = VOCAB // _WB + 1


def _wt_body(x0_ref, x1_ref, x2_ref, x3_ref, o_ref):
    x = jnp.concatenate(
        [x0_ref[...], x1_ref[...], x2_ref[...], x3_ref[...]], axis=0)
    o_ref[...] = x.T


def _w_linearize(wT):
    specs = [
        pl.BlockSpec((D, _WB), functools.partial(
            lambda k, i: (0, jnp.minimum(4 * i + k, _NWB - 1)), k))
        for k in range(4)
    ]
    return pl.pallas_call(
        _wt_body,
        grid=(_WG,),
        in_specs=specs,
        out_specs=pl.BlockSpec((_WB, 128), lambda i: (i, 0)),
        out_shape=jax.ShapeDtypeStruct((_TROWS * D // 128, 128), jnp.float32),
    )(wT, wT, wT, wT)


_CB = 1024


def _transpose_body(x_ref, o_ref):
    x = x_ref[...]
    for s in range(HIST * D // 128):
        o_ref[pl.ds(s * 128, 128), :] = x[:, s, :].T
    rem = HIST * D % 128
    s = HIST * D // 128
    o_ref[pl.ds(s * 128, rem), :] = x[:, s, :rem].T


def _tc_transpose(o3):
    return pl.pallas_call(
        _transpose_body,
        grid=(BATCH // _CB,),
        in_specs=[pl.BlockSpec((_CB, HP // 4, 128), lambda i: (i, 0, 0))],
        out_specs=pl.BlockSpec((HIST * D, _CB), lambda i: (0, i)),
        out_shape=jax.ShapeDtypeStruct((HIST * D, BATCH), jnp.float32),
    )(o3)


def kernel(token_ids, w):
    idx = jnp.concatenate([token_ids, token_ids[:, : HP - HIST]], axis=1)
    idx = idx.reshape(-1).astype(jnp.int32)
    idx = ((idx // (4 * _WB)) * (4 * _WB) + 4 * (idx % _WB)
           + (idx // _WB) % 4)
    w_rows = _w_linearize(w.T).reshape(_TROWS, D)
    out_lin = _gather_rows(idx, w_rows)
    o3 = out_lin.reshape(BATCH, HP // 4, 128)
    out2d = _tc_transpose(o3)
    return out2d.reshape(HIST, D, BATCH).transpose(2, 0, 1)

# --- scband reference (transcript-rebuilt; emitter-appended) ---
"""Pipeline reference for scband-embedding-31147102830905 (READ-ONLY COPY).

The authoritative reference and input builder live on the scoring server;
editing this copy changes nothing except your own understanding.
"""

import jax, jax.numpy as jnp
import numpy as np

VOCAB = 1000000
D_MODEL = 32
BATCH = 16384
HIST = 50

def _trunc_normal(key, shape, mean=0.0, std=1.0, a=-3.0, b=3.0, dtype=jnp.float32):
    # truncated normal in [a, b] with given mean/std (matches torch.nn.init.trunc_normal_)
    u = jax.random.truncated_normal(key, a, b, shape, dtype=dtype)
    return u * std + mean

def setup_inputs(seed: int = 0) -> dict:
    key = jax.random.key(seed)
    k_idx, k_w = jax.random.split(key)
    token_ids = jax.random.randint(k_idx, (BATCH, HIST), 0, VOCAB, dtype=jnp.int64)
    w = _trunc_normal(k_w, (VOCAB, D_MODEL))
    return {"token_ids": token_ids, "w": w}

def reference(token_ids, w):
    input_flat = token_ids.reshape(-1)
    result = jnp.take(w, input_flat, axis=0)
    return result.reshape((*token_ids.shape, -1))

if __name__ == "__main__":
    import jax
    _d = setup_inputs()
    print(jax.jit(kernel)(*tuple(_d.values())))

</pallas_src>

<mosaic_0001>
#map = affine_map<(d0, d1) -> (0)>
#map1 = affine_map<(d0, d1) -> (0, 0)>
module attributes {stable_mosaic.version = 14 : i64} {
  func.func @_gather_rows(%arg0: i32, %arg1: i32, %arg2: memref<1048576xi32, #tpu.memory_space<hbm>>, %arg3: memref<1015808x32xf32, #tpu.memory_space<hbm>>, %arg4: memref<1048576x32xf32, #tpu.memory_space<hbm>>, %arg5: memref<32768xi32, #tpu.memory_space<vmem>>, %arg6: memref<2048x32xf32, #tpu.memory_space<vmem>>, %arg7: memref<!tpu.dma_semaphore, #tpu.memory_space<semaphore_mem>>) attributes {dimension_semantics = [#tpu.dimension_semantics<core_parallel>, #tpu.dimension_semantics<subcore_parallel>], iteration_bounds = array<i64: 2, 16>, scalar_prefetch = 0 : i64, scratch_operands = 3 : i64, tpu.core_type = #tpu.core_type<sc_vector_subcore>, window_params = [{transform_indices = #map}, {transform_indices = #map1}, {transform_indices = #map1}]} {
    %mul3A = arith.constant 2 : i32
    %mul3A_0 = arith.muli %arg1, %mul3A : i32
    %add3A = arith.addi %mul3A_0, %arg0 : i32
    %mul3A_1 = arith.constant 32768 : i32
    %mul3A_2 = arith.muli %add3A, %mul3A_1 : i32
    "tpu.region"() ({
      %run_scoped3A = tpu.sem_alloc : memref<!tpu.dma_semaphore, #tpu.memory_space<semaphore_mem>>
      %dma_start3A = tpu.memref_slice %arg2[%mul3A_2] : memref<1048576xi32, #tpu.memory_space<hbm>> -> memref<32768xi32, #tpu.memory_space<hbm>>
      %dma_start3A_8 = tpu.memref_slice %arg2[%mul3A_2] : memref<1048576xi32, #tpu.memory_space<hbm>> -> memref<32768xi32, #tpu.memory_space<hbm>>
      tpu.enqueue_dma source(%dma_start3A_8 : memref<32768xi32, #tpu.memory_space<hbm>>) target(%arg5 : memref<32768xi32, #tpu.memory_space<vmem>>) target_semaphore(%run_scoped3A : memref<!tpu.dma_semaphore, #tpu.memory_space<semaphore_mem>>)
      %dma_wait3A = tpu.memref_slice %arg2[%mul3A_2] : memref<1048576xi32, #tpu.memory_space<hbm>> -> memref<32768xi32, #tpu.memory_space<hbm>>
      %dma_wait3A_9 = tpu.memref_slice %arg2[%mul3A_2] : memref<1048576xi32, #tpu.memory_space<hbm>> -> memref<32768xi32, #tpu.memory_space<hbm>>
      tpu.wait_dma2 semaphore(%run_scoped3A : memref<!tpu.dma_semaphore, #tpu.memory_space<semaphore_mem>>) src(%dma_wait3A_9 : memref<32768xi32, #tpu.memory_space<hbm>>) dst(%arg5 : memref<32768xi32, #tpu.memory_space<vmem>>)
      tpu.yield
    }) : () -> ()
    %scan3A = arith.constant 0 : i32
    %scan3A_3 = arith.constant 0 : i32
    %scan3A_4 = arith.constant 16 : i32
    %scan3A_5 = arith.addi %scan3A_3, %scan3A_4 : i32
    %scan3A_6 = arith.constant 1 : i32
    scf.for %scan3A_8 = %scan3A_3 to %scan3A_5 step %scan3A_6  : i32 {
      %mul3A_9 = arith.constant 2048 : i32
      %mul3A_10 = arith.muli %scan3A_8, %mul3A_9 : i32
      %dma_start3A = tpu.memref_slice %arg5[%mul3A_10] : memref<32768xi32, #tpu.memory_space<vmem>> -> memref<2048xi32, #tpu.memory_space<vmem>>
      %dma_start3A_11 = arith.constant 0 : i32
      %dma_start3A_12 = arith.constant 0 : i32
      %dma_start3A_13 = tpu.memref_slice %arg3[%dma_start3A_11, %dma_start3A_12] : memref<1015808x32xf32, #tpu.memory_space<hbm>> -> memref<1015808x32xf32, #tpu.memory_space<hbm>>
      tpu.enqueue_indirect_dma source(%dma_start3A_13 : memref<1015808x32xf32, #tpu.memory_space<hbm>>) target(%arg6 : memref<2048x32xf32, #tpu.memory_space<vmem>>) offsets(%dma_start3A : memref<2048xi32, #tpu.memory_space<vmem>>) semaphore(%arg7 : memref<!tpu.dma_semaphore, #tpu.memory_space<semaphore_mem>>)
      %dma_wait3A = tpu.memref_slice %arg5[%mul3A_10] : memref<32768xi32, #tpu.memory_space<vmem>> -> memref<2048xi32, #tpu.memory_space<vmem>>
      %dma_wait3A_14 = arith.constant 0 : i32
      %dma_wait3A_15 = arith.constant 0 : i32
      %dma_wait3A_16 = tpu.memref_slice %arg3[%dma_wait3A_14, %dma_wait3A_15] : memref<1015808x32xf32, #tpu.memory_space<hbm>> -> memref<1015808x32xf32, #tpu.memory_space<hbm>>
      tpu.wait_indirect_dma semaphore(%arg7 : memref<!tpu.dma_semaphore, #tpu.memory_space<semaphore_mem>>) src(%dma_wait3A_16 : memref<1015808x32xf32, #tpu.memory_space<hbm>>) dst(%arg6 : memref<2048x32xf32, #tpu.memory_space<vmem>>)
      %mul3A_17 = arith.constant 2048 : i32
      %mul3A_18 = arith.muli %scan3A_8, %mul3A_17 : i32
      %add3A_19 = arith.addi %mul3A_2, %mul3A_18 : i32
      "tpu.region"() ({
        %run_scoped3A = tpu.sem_alloc : memref<!tpu.dma_semaphore, #tpu.memory_space<semaphore_mem>>
        %dma_start3A_20 = arith.constant 0 : i32
        %dma_start3A_21 = tpu.memref_slice %arg4[%add3A_19, %dma_start3A_20] : memref<1048576x32xf32, #tpu.memory_space<hbm>> -> memref<2048x32xf32, #tpu.memory_space<hbm>>
        %dma_start3A_22 = arith.constant 0 : i32
        %dma_start3A_23 = tpu.memref_slice %arg4[%add3A_19, %dma_start3A_22] : memref<1048576x32xf32, #tpu.memory_space<hbm>> -> memref<2048x32xf32, #tpu.memory_space<hbm>>
        tpu.enqueue_dma source(%arg6 : memref<2048x32xf32, #tpu.memory_space<vmem>>) target(%dma_start3A_23 : memref<2048x32xf32, #tpu.memory_space<hbm>>) target_semaphore(%run_scoped3A : memref<!tpu.dma_semaphore, #tpu.memory_space<semaphore_mem>>)
        %dma_wait3A_24 = arith.constant 0 : i32
        %dma_wait3A_25 = tpu.memref_slice %arg4[%add3A_19, %dma_wait3A_24] : memref<1048576x32xf32, #tpu.memory_space<hbm>> -> memref<2048x32xf32, #tpu.memory_space<hbm>>
        %dma_wait3A_26 = arith.constant 0 : i32
        %dma_wait3A_27 = tpu.memref_slice %arg4[%add3A_19, %dma_wait3A_26] : memref<1048576x32xf32, #tpu.memory_space<hbm>> -> memref<2048x32xf32, #tpu.memory_space<hbm>>
        tpu.wait_dma2 semaphore(%run_scoped3A : memref<!tpu.dma_semaphore, #tpu.memory_space<semaphore_mem>>) src(%arg6 : memref<2048x32xf32, #tpu.memory_space<vmem>>) dst(%dma_wait3A_27 : memref<2048x32xf32, #tpu.memory_space<hbm>>)
        tpu.yield
      }) : () -> ()
    }
    %scan3A_7 = arith.constant 16 : i32
    return
  }
}

module attributes {stable_mosaic.version = 14 : i64} {
  func.func @_wt_body(%arg0: i32, %arg1: memref<32x8192xf32, #tpu.memory_space<vmem>>, %arg2: memref<32x8192xf32, #tpu.memory_space<vmem>>, %arg3: memref<32x8192xf32, #tpu.memory_space<vmem>>, %arg4: memref<32x8192xf32, #tpu.memory_space<vmem>>, %arg5: memref<8192x128xf32, #tpu.memory_space<vmem>>) attributes {dimension_semantics = [#tpu.dimension_semantics<arbitrary>], iteration_bounds = array<i64: 31>, scalar_prefetch = 0 : i64, scratch_operands = 0 : i64, tpu.core_type = #tpu.core_type<tc>, window_params = [{transform_indices = @transform_0, window_bounds = array<i64: 32, 8192>}, {transform_indices = @transform_1, window_bounds = array<i64: 32, 8192>}, {transform_indices = @transform_2, window_bounds = array<i64: 32, 8192>}, {transform_indices = @transform_3, window_bounds = array<i64: 32, 8192>}, {transform_indices = @transform_4, window_bounds = array<i64: 8192, 128>}]} {
    %get3A = arith.constant 0 : index
    %get3A_0 = arith.constant 0 : index
    %get3A_1 = vector.load %arg1[%get3A, %get3A_0] : memref<32x8192xf32, #tpu.memory_space<vmem>>, vector<32x8192xf32>
    %get3A_2 = arith.constant 0 : index
    %get3A_3 = arith.constant 0 : index
    %get3A_4 = vector.load %arg2[%get3A_2, %get3A_3] : memref<32x8192xf32, #tpu.memory_space<vmem>>, vector<32x8192xf32>
    %get3A_5 = arith.constant 0 : index
    %get3A_6 = arith.constant 0 : index
    %get3A_7 = vector.load %arg3[%get3A_5, %get3A_6] : memref<32x8192xf32, #tpu.memory_space<vmem>>, vector<32x8192xf32>
    %get3A_8 = arith.constant 0 : index
    %get3A_9 = arith.constant 0 : index
    %get3A_10 = vector.load %arg4[%get3A_8, %get3A_9] : memref<32x8192xf32, #tpu.memory_space<vmem>>, vector<32x8192xf32>
    %concatenate3A = tpu.concatenate %get3A_1, %get3A_4, %get3A_7, %get3A_10 in 0 : vector<32x8192xf32>, vector<32x8192xf32>, vector<32x8192xf32>, vector<32x8192xf32> -> vector<128x8192xf32>
    %transpose3A = tpu.transpose %concatenate3A, [1, 0] : vector<128x8192xf32> -> vector<8192x128xf32>
    %swap3A = arith.constant 0 : index
    %swap3A_11 = arith.constant 0 : index
    %swap3A_12 = vector.load %arg5[%swap3A, %swap3A_11] : memref<8192x128xf32, #tpu.memory_space<vmem>>, vector<8192x128xf32>
    tpu.vector_store %arg5[%swap3A, %swap3A_11], %transpose3A {strides = array<i32>} : memref<8192x128xf32, #tpu.memory_space<vmem>>, vector<8192x128xf32>,
    return
  }
  func.func @transform_0(%arg0: i32) -> (i32, i32) {
    %mul3A = arith.constant 4 : i32
    %mul3A_0 = arith.muli %mul3A, %arg0 : i32
    %add3A = arith.constant 0 : i32
    %add3A_1 = arith.addi %mul3A_0, %add3A : i32
    %min3A = arith.constant 122 : i32
    %min3A_2 = arith.minsi %add3A_1, %min3A : i32
    %c0_i32 = arith.constant 0 : i32
    %c0_i32_3 = arith.constant 0 : i32
    return %c0_i32, %min3A_2 : i32, i32
  }
  func.func @transform_1(%arg0: i32) -> (i32, i32) {
    %mul3A = arith.constant 4 : i32
    %mul3A_0 = arith.muli %mul3A, %arg0 : i32
    %add3A = arith.constant 1 : i32
    %add3A_1 = arith.addi %mul3A_0, %add3A : i32
    %min3A = arith.constant 122 : i32
    %min3A_2 = arith.minsi %add3A_1, %min3A : i32
    %c0_i32 = arith.constant 0 : i32
    %c0_i32_3 = arith.constant 0 : i32
    return %c0_i32, %min3A_2 : i32, i32
  }
  func.func @transform_2(%arg0: i32) -> (i32, i32) {
    %mul3A = arith.constant 4 : i32
    %mul3A_0 = arith.muli %mul3A, %arg0 : i32
    %add3A = arith.constant 2 : i32
    %add3A_1 = arith.addi %mul3A_0, %add3A : i32
    %min3A = arith.constant 122 : i32
    %min3A_2 = arith.minsi %add3A_1, %min3A : i32
    %c0_i32 = arith.constant 0 : i32
    %c0_i32_3 = arith.constant 0 : i32
    return %c0_i32, %min3A_2 : i32, i32
  }
  func.func @transform_3(%arg0: i32) -> (i32, i32) {
    %mul3A = arith.constant 4 : i32
    %mul3A_0 = arith.muli %mul3A, %arg0 : i32
    %add3A = arith.constant 3 : i32
    %add3A_1 = arith.addi %mul3A_0, %add3A : i32
    %min3A = arith.constant 122 : i32
    %min3A_2 = arith.minsi %add3A_1, %min3A : i32
    %c0_i32 = arith.constant 0 : i32
    %c0_i32_3 = arith.constant 0 : i32
    return %c0_i32, %min3A_2 : i32, i32
  }
  func.func @transform_4(%arg0: i32) -> (i32, i32) {
    %c0_i32 = arith.constant 0 : i32
    %c0_i32_0 = arith.constant 0 : i32
    return %arg0, %c0_i32 : i32, i32
  }
}

module attributes {stable_mosaic.version = 14 : i64} {
  func.func @_transpose_body(%arg0: i32, %arg1: memref<1024x16x128xf32, #tpu.memory_space<vmem>>, %arg2: memref<1600x1024xf32, #tpu.memory_space<vmem>>) attributes {dimension_semantics = [#tpu.dimension_semantics<arbitrary>], iteration_bounds = array<i64: 16>, scalar_prefetch = 0 : i64, scratch_operands = 0 : i64, tpu.core_type = #tpu.core_type<tc>, window_params = [{transform_indices = @transform_0, window_bounds = array<i64: 1024, 16, 128>}, {transform_indices = @transform_1, window_bounds = array<i64: 1600, 1024>}]} {
    %get3A = arith.constant 0 : index
    %get3A_0 = arith.constant 0 : index
    %get3A_1 = arith.constant 0 : index
    %get3A_2 = vector.load %arg1[%get3A, %get3A_0, %get3A_1] : memref<1024x16x128xf32, #tpu.memory_space<vmem>>, vector<1024x16x128xf32>
    %slice3A = vector.extract_strided_slice %get3A_2 {offsets = [0, 0, 0], sizes = [1024, 1, 128], strides = [1, 1, 1]} : vector<1024x16x128xf32> to vector<1024x1x128xf32>
    %squeeze3A = vector.shape_cast %slice3A : vector<1024x1x128xf32> to vector<1024x128xf32>
    %transpose3A = tpu.transpose %squeeze3A, [1, 0] : vector<1024x128xf32> -> vector<128x1024xf32>
    %swap3A = arith.constant 0 : index
    %swap3A_3 = arith.constant 0 : index
    %swap3A_4 = vector.load %arg2[%swap3A, %swap3A_3] : memref<1600x1024xf32, #tpu.memory_space<vmem>>, vector<128x1024xf32>
    tpu.vector_store %arg2[%swap3A, %swap3A_3], %transpose3A {strides = array<i32>} : memref<1600x1024xf32, #tpu.memory_space<vmem>>, vector<128x1024xf32>,
    %slice3A_5 = vector.extract_strided_slice %get3A_2 {offsets = [0, 1, 0], sizes = [1024, 1, 128], strides = [1, 1, 1]} : vector<1024x16x128xf32> to vector<1024x1x128xf32>
    %squeeze3A_6 = vector.shape_cast %slice3A_5 : vector<1024x1x128xf32> to vector<1024x128xf32>
    %transpose3A_7 = tpu.transpose %squeeze3A_6, [1, 0] : vector<1024x128xf32> -> vector<128x1024xf32>
    %swap3A_8 = arith.constant 128 : index
    %swap3A_9 = arith.constant 0 : index
    %swap3A_10 = vector.load %arg2[%swap3A_8, %swap3A_9] : memref<1600x1024xf32, #tpu.memory_space<vmem>>, vector<128x1024xf32>
    tpu.vector_store %arg2[%swap3A_8, %swap3A_9], %transpose3A_7 {strides = array<i32>} : memref<1600x1024xf32, #tpu.memory_space<vmem>>, vector<128x1024xf32>,
    %slice3A_11 = vector.extract_strided_slice %get3A_2 {offsets = [0, 2, 0], sizes = [1024, 1, 128], strides = [1, 1, 1]} : vector<1024x16x128xf32> to vector<1024x1x128xf32>
    %squeeze3A_12 = vector.shape_cast %slice3A_11 : vector<1024x1x128xf32> to vector<1024x128xf32>
    %transpose3A_13 = tpu.transpose %squeeze3A_12, [1, 0] : vector<1024x128xf32> -> vector<128x1024xf32>
    %swap3A_14 = arith.constant 256 : index
    %swap3A_15 = arith.constant 0 : index
    %swap3A_16 = vector.load %arg2[%swap3A_14, %swap3A_15] : memref<1600x1024xf32, #tpu.memory_space<vmem>>, vector<128x1024xf32>
    tpu.vector_store %arg2[%swap3A_14, %swap3A_15], %transpose3A_13 {strides = array<i32>} : memref<1600x1024xf32, #tpu.memory_space<vmem>>, vector<128x1024xf32>,
    %slice3A_17 = vector.extract_strided_slice %get3A_2 {offsets = [0, 3, 0], sizes = [1024, 1, 128], strides = [1, 1, 1]} : vector<1024x16x128xf32> to vector<1024x1x128xf32>
    %squeeze3A_18 = vector.shape_cast %slice3A_17 : vector<1024x1x128xf32> to vector<1024x128xf32>
    %transpose3A_19 = tpu.transpose %squeeze3A_18, [1, 0] : vector<1024x128xf32> -> vector<128x1024xf32>
    %swap3A_20 = arith.constant 384 : index
    %swap3A_21 = arith.constant 0 : index
    %swap3A_22 = vector.load %arg2[%swap3A_20, %swap3A_21] : memref<1600x1024xf32, #tpu.memory_space<vmem>>, vector<128x1024xf32>
    tpu.vector_store %arg2[%swap3A_20, %swap3A_21], %transpose3A_19 {strides = array<i32>} : memref<1600x1024xf32, #tpu.memory_space<vmem>>, vector<128x1024xf32>,
    %slice3A_23 = vector.extract_strided_slice %get3A_2 {offsets = [0, 4, 0], sizes = [1024, 1, 128], strides = [1, 1, 1]} : vector<1024x16x128xf32> to vector<1024x1x128xf32>
    %squeeze3A_24 = vector.shape_cast %slice3A_23 : vector<1024x1x128xf32> to vector<1024x128xf32>
    %transpose3A_25 = tpu.transpose %squeeze3A_24, [1, 0] : vector<1024x128xf32> -> vector<128x1024xf32>
    %swap3A_26 = arith.constant 512 : index
    %swap3A_27 = arith.constant 0 : index
    %swap3A_28 = vector.load %arg2[%swap3A_26, %swap3A_27] : memref<1600x1024xf32, #tpu.memory_space<vmem>>, vector<128x1024xf32>
    tpu.vector_store %arg2[%swap3A_26, %swap3A_27], %transpose3A_25 {strides = array<i32>} : memref<1600x1024xf32, #tpu.memory_space<vmem>>, vector<128x1024xf32>,
    %slice3A_29 = vector.extract_strided_slice %get3A_2 {offsets = [0, 5, 0], sizes = [1024, 1, 128], strides = [1, 1, 1]} : vector<1024x16x128xf32> to vector<1024x1x128xf32>
    %squeeze3A_30 = vector.shape_cast %slice3A_29 : vector<1024x1x128xf32> to vector<1024x128xf32>
    %transpose3A_31 = tpu.transpose %squeeze3A_30, [1, 0] : vector<1024x128xf32> -> vector<128x1024xf32>
    %swap3A_32 = arith.constant 640 : index
    %swap3A_33 = arith.constant 0 : index
    %swap3A_34 = vector.load %arg2[%swap3A_32, %swap3A_33] : memref<1600x1024xf32, #tpu.memory_space<vmem>>, vector<128x1024xf32>
    tpu.vector_store %arg2[%swap3A_32, %swap3A_33], %transpose3A_31 {strides = array<i32>} : memref<1600x1024xf32, #tpu.memory_space<vmem>>, vector<128x1024xf32>,
    %slice3A_35 = vector.extract_strided_slice %get3A_2 {offsets = [0, 6, 0], sizes = [1024, 1, 128], strides = [1, 1, 1]} : vector<1024x16x128xf32> to vector<1024x1x128xf32>
    %squeeze3A_36 = vector.shape_cast %slice3A_35 : vector<1024x1x128xf32> to vector<1024x128xf32>
    %transpose3A_37 = tpu.transpose %squeeze3A_36, [1, 0] : vector<1024x128xf32> -> vector<128x1024xf32>
    %swap3A_38 = arith.constant 768 : index
    %swap3A_39 = arith.constant 0 : index
    %swap3A_40 = vector.load %arg2[%swap3A_38, %swap3A_39] : memref<1600x1024xf32, #tpu.memory_space<vmem>>, vector<128x1024xf32>
    tpu.vector_store %arg2[%swap3A_38, %swap3A_39], %transpose3A_37 {strides = array<i32>} : memref<1600x1024xf32, #tpu.memory_space<vmem>>, vector<128x1024xf32>,
    %slice3A_41 = vector.extract_strided_slice %get3A_2 {offsets = [0, 7, 0], sizes = [1024, 1, 128], strides = [1, 1, 1]} : vector<1024x16x128xf32> to vector<1024x1x128xf32>
    %squeeze3A_42 = vector.shape_cast %slice3A_41 : vector<1024x1x128xf32> to vector<1024x128xf32>
    %transpose3A_43 = tpu.transpose %squeeze3A_42, [1, 0] : vector<1024x128xf32> -> vector<128x1024xf32>
    %swap3A_44 = arith.constant 896 : index
    %swap3A_45 = arith.constant 0 : index
    %swap3A_46 = vector.load %arg2[%swap3A_44, %swap3A_45] : memref<1600x1024xf32, #tpu.memory_space<vmem>>, vector<128x1024xf32>
    tpu.vector_store %arg2[%swap3A_44, %swap3A_45], %transpose3A_43 {strides = array<i32>} : memref<1600x1024xf32, #tpu.memory_space<vmem>>, vector<128x1024xf32>,
    %slice3A_47 = vector.extract_strided_slice %get3A_2 {offsets = [0, 8, 0], sizes = [1024, 1, 128], strides = [1, 1, 1]} : vector<1024x16x128xf32> to vector<1024x1x128xf32>
    %squeeze3A_48 = vector.shape_cast %slice3A_47 : vector<1024x1x128xf32> to vector<1024x128xf32>
    %transpose3A_49 = tpu.transpose %squeeze3A_48, [1, 0] : vector<1024x128xf32> -> vector<128x1024xf32>
    %swap3A_50 = arith.constant 1024 : index
    %swap3A_51 = arith.constant 0 : index
    %swap3A_52 = vector.load %arg2[%swap3A_50, %swap3A_51] : memref<1600x1024xf32, #tpu.memory_space<vmem>>, vector<128x1024xf32>
    tpu.vector_store %arg2[%swap3A_50, %swap3A_51], %transpose3A_49 {strides = array<i32>} : memref<1600x1024xf32, #tpu.memory_space<vmem>>, vector<128x1024xf32>,
    %slice3A_53 = vector.extract_strided_slice %get3A_2 {offsets = [0, 9, 0], sizes = [1024, 1, 128], strides = [1, 1, 1]} : vector<1024x16x128xf32> to vector<1024x1x128xf32>
    %squeeze3A_54 = vector.shape_cast %slice3A_53 : vector<1024x1x128xf32> to vector<1024x128xf32>
    %transpose3A_55 = tpu.transpose %squeeze3A_54, [1, 0] : vector<1024x128xf32> -> vector<128x1024xf32>
    %swap3A_56 = arith.constant 1152 : index
    %swap3A_57 = arith.constant 0 : index
    %swap3A_58 = vector.load %arg2[%swap3A_56, %swap3A_57] : memref<1600x1024xf32, #tpu.memory_space<vmem>>, vector<128x1024xf32>
    tpu.vector_store %arg2[%swap3A_56, %swap3A_57], %transpose3A_55 {strides = array<i32>} : memref<1600x1024xf32, #tpu.memory_space<vmem>>, vector<128x1024xf32>,
    %slice3A_59 = vector.extract_strided_slice %get3A_2 {offsets = [0, 10, 0], sizes = [1024, 1, 128], strides = [1, 1, 1]} : vector<1024x16x128xf32> to vector<1024x1x128xf32>
    %squeeze3A_60 = vector.shape_cast %slice3A_59 : vector<1024x1x128xf32> to vector<1024x128xf32>
    %transpose3A_61 = tpu.transpose %squeeze3A_60, [1, 0] : vector<1024x128xf32> -> vector<128x1024xf32>
    %swap3A_62 = arith.constant 1280 : index
    %swap3A_63 = arith.constant 0 : index
    %swap3A_64 = vector.load %arg2[%swap3A_62, %swap3A_63] : memref<1600x1024xf32, #tpu.memory_space<vmem>>, vector<128x1024xf32>
    tpu.vector_store %arg2[%swap3A_62, %swap3A_63], %transpose3A_61 {strides = array<i32>} : memref<1600x1024xf32, #tpu.memory_space<vmem>>, vector<128x1024xf32>,
    %slice3A_65 = vector.extract_strided_slice %get3A_2 {offsets = [0, 11, 0], sizes = [1024, 1, 128], strides = [1, 1, 1]} : vector<1024x16x128xf32> to vector<1024x1x128xf32>
    %squeeze3A_66 = vector.shape_cast %slice3A_65 : vector<1024x1x128xf32> to vector<1024x128xf32>
    %transpose3A_67 = tpu.transpose %squeeze3A_66, [1, 0] : vector<1024x128xf32> -> vector<128x1024xf32>
    %swap3A_68 = arith.constant 1408 : index
    %swap3A_69 = arith.constant 0 : index
    %swap3A_70 = vector.load %arg2[%swap3A_68, %swap3A_69] : memref<1600x1024xf32, #tpu.memory_space<vmem>>, vector<128x1024xf32>
    tpu.vector_store %arg2[%swap3A_68, %swap3A_69], %transpose3A_67 {strides = array<i32>} : memref<1600x1024xf32, #tpu.memory_space<vmem>>, vector<128x1024xf32>,
    %slice3A_71 = vector.extract_strided_slice %get3A_2 {offsets = [0, 12, 0], sizes = [1024, 1, 64], strides = [1, 1, 1]} : vector<1024x16x128xf32> to vector<1024x1x64xf32>
    %squeeze3A_72 = vector.shape_cast %slice3A_71 : vector<1024x1x64xf32> to vector<1024x64xf32>
    %transpose3A_73 = tpu.transpose %squeeze3A_72, [1, 0] : vector<1024x64xf32> -> vector<64x1024xf32>
    %swap3A_74 = arith.constant 1536 : index
    %swap3A_75 = arith.constant 0 : index
    %swap3A_76 = vector.load %arg2[%swap3A_74, %swap3A_75] : memref<1600x1024xf32, #tpu.memory_space<vmem>>, vector<64x1024xf32>
    tpu.vector_store %arg2[%swap3A_74, %swap3A_75], %transpose3A_73 {strides = array<i32>} : memref<1600x1024xf32, #tpu.memory_space<vmem>>, vector<64x1024xf32>,
    return
  }
  func.func @transform_0(%arg0: i32) -> (i32, i32, i32) {
    %c0_i32 = arith.constant 0 : i32
    %c0_i32_0 = arith.constant 0 : i32
    %c0_i32_1 = arith.constant 0 : i32
    return %arg0, %c0_i32, %c0_i32_0 : i32, i32, i32
  }
  func.func @transform_1(%arg0: i32) -> (i32, i32) {
    %c0_i32 = arith.constant 0 : i32
    %c0_i32_0 = arith.constant 0 : i32
    return %c0_i32, %arg0 : i32, i32
  }
}

</mosaic_0001>

<sc_bundles>
// kernel: kernel.5.cloned.1.call-start
scs
__scs_entry_jumppad:
0x0: {  	(pc) =	sbr.rel $0x88, $3  }
0x1: {  	(tag) =	ssettag $0x0;
	lr =	simm.s32 $0x1  }
0x2: {  	[smem:$0x3F9F] =	sst lr;
	_ =	strace $0xD0000000  }
0x3: {  	_ = 	snop  }
0x4: {  	_ = 	snop  }
0x5: {  	_ = 	snop  }
0x6: {  	_ = 	snop  }
0x7: {  	_ = 	snop  }
__scs_overlays_trampoline_lowered:
0x8: {  	[smem:$0x3FAE] =	sst s0  }
0x9: {  	[smem:$0x3FAF] =	sst s1  }
0xa: {  	[smem:$0x3FB0] =	sst s2  }
0xb: {  	[smem:$0x3FB1] =	sst s3  }
0xc: {  	[smem:$0x3FB2] =	sst s4  }
0xd: {  	[smem:$0x3FB3] =	sst s5  }
0xe: {  	[smem:$0x3FB4] =	sst s6  }
0xf: {  	[smem:$0x3FB5] =	sst s7  }
0x10: {  	[smem:$0x3FB6] =	sst s8  }
0x11: {  	[smem:$0x3FB7] =	sst s9;
	s0 =	simm.s32 @!p0 $0x0  }
0x12: {  	s1 =	sld [smem:$0x3F9D];
	s0 =	simm.s32 @p0 $0x1  }
0x13: {  	[smem:$0x3FB8] =	sst s0;
	s0 =	simm.s32 @!p1 $0x0  }
0x14: {  	s2 =	sld [smem:$0x3F9C];
	s0 =	simm.s32 @p1 $0x1  }
0x15: {  	[smem:$0x3FB9] =	sst s0;
	s0 =	simm.s32 @!p2 $0x0  }
0x16: {  	s3 =	sld [smem:$0x3FDB];
	s0 =	simm.s32 @p2 $0x1  }
0x17: {  	s4 =	simm.s32 $0x1BF5;
	[smem:$0x3FBB] =	sst s0  }
0x18: {  	s0 =	sld [smem:$0x3F9E];
	_ =	swait.ge [sflag:s4], $0x0  }
0x19: {  	s7 =	sld [smem:$0x3F9F]  }
0x1a: {  	s8 =	sadd.s32 $0xFFFFE003, lr  }
0x1b: {  	s9 =	sadd.s32 $0xFFFFFEF7, lr;
	s5 =	simm.s32 $0xFFFFFFFF;
	p2 =	slt.u32 s8, $0xFFFFF086  }
0x1c: {  	p1 =	slt.u32 s9, $0xF7A;
	s5 =	simm.s32 @!p2 $0x0  }
0x1d: {  	s5 =	simm.s32 @p1 $0x1;
	p0 =	seq.s32 s7, s2  }
0x1e: {  	s7 =	smul.u32 @!p0 $0xF7A, s2;
	p2 =	seq.s32 @!p0 s5, $0x0  }
0x1f: {  	s9 =	smul.u32 $0xF7A, s1;
	s8 =	simm.s32 @!p0 $0x1BF5;
	p2 =	por !p2, p0  }
0x20: {  	[sflag:s8] =	ssyncset.s32 @!p0 $0xFFFFF086;
	s6 =	sadd.s32 @!p0 s3, s7;
	s7 =	simm.s32 @!p0 $0x108  }
0x21: {  	s3 =	sadd.s32 s3, s9;
	s6 =	sadd.s32 @!p0 $0x88, s6;
	s7 =	simm.s32 @p2 $0x1082  }
0x22: {  	[simem:s7], [sflag:s8] =	dma.local @!p0 [hbm:s6], $0xF7A  }
0x23: {  	s9 =	sor.u32 $0xD0000000, s2;
	s6 =	simm.s32 $0x108;
	_ =	swait.ge @!p0 [sflag:s8], $0x0  }
0x24: {  	s3 =	sadd.s32 $0x88, s3;
	s6 =	simm.s32 @!p1 $0x1082;
	[sflag:s4] =	ssyncset.s32 $0xFFFFF086  }
0x25: {  	[simem:s6], [sflag:s4] =	dma.local [hbm:s3], $0xF7A  }
0x26: {  	[smem:$0x3F9F] =	sst s1;
	(tag) =	ssettag s2;
	_ =	strace s9  }
0x27: {  	s1 =	sld [smem:$0x3FAF]  }
0x28: {  	s2 =	sld [smem:$0x3FB0]  }
0x29: {  	s4 =	sld [smem:$0x3FB2]  }
0x2a: {  	p0 =	seq.s32 s5, $0x0;
	s5 =	sld [smem:$0x3FB3]  }
0x2b: {  	s6 =	sld [smem:$0x3FB4]  }
0x2c: {  	s7 =	sld [smem:$0x3FB5]  }
0x2d: {  	s3 =	simm.s32 $0x108;
	s8 =	sld [smem:$0x3FB6]  }
0x2e: {  	s3 =	simm.s32 @!p0 $0x1082;
	s9 =	sld [smem:$0x3FB7]  }
0x2f: {  	lr =	sadd.s32 s0, s3;
	s0 =	sld [smem:$0x3FAE]  }
0x30: {  	s3 =	sld [smem:$0x3FB1]  }
0x31: {  	[smem:$0x3FBA] =	sst s10  }
0x32: {  	s10 =	sld [smem:$0x3FB8];
	_ =	sdelay $0x3  }
0x33: {  	p0 =	seq.s32 s10, $0x1;
	s10 =	sld [smem:$0x3FBA];
	_ =	sdelay $0x3  }
0x34: {  	[smem:$0x3FBA] =	sst s10  }
0x35: {  	s10 =	sld [smem:$0x3FB9];
	_ =	sdelay $0x3  }
0x36: {  	p1 =	seq.s32 s10, $0x1;
	s10 =	sld [smem:$0x3FBA];
	_ =	sdelay $0x3  }
0x37: {  	[smem:$0x3FBA] =	sst s10  }
0x38: {  	s10 =	sld [smem:$0x3FBB]  }
0x39: {  	_ = 	snop;
	(pc) =	sbr.ind lr, $3  }
0x3a: {  	_ = 	snop  }
0x3b: {  	_ = 	snop  }
0x3c: {  	p2 =	seq.s32 s10, $0x1;
	s10 =	sld [smem:$0x3FBA]  }
0x3d: {  	_ =	shalt  }
0x3e: {  	_ =	shalt  }
0x3f: {  	_ =	shalt  }
0x40: {  	_ =	shalt  }
0x41: {  	_ =	shalt  }
0x42: {  	_ =	shalt  }
0x43: {  	_ =	shalt  }
0x44: {  	_ =	shalt  }
0x45: {  	_ =	shalt  }
0x46: {  	_ =	shalt  }
0x47: {  	_ =	shalt  }
0x48: {  	_ =	shalt  }
0x49: {  	_ =	shalt  }
0x4a: {  	_ =	shalt  }
0x4b: {  	_ =	shalt  }
0x4c: {  	_ =	shalt  }
0x4d: {  	_ =	shalt  }
0x4e: {  	_ =	shalt  }
0x4f: {  	_ =	shalt  }
0x50: {  	_ =	shalt  }
0x51: {  	_ =	shalt  }
0x52: {  	_ =	shalt  }
0x53: {  	_ =	shalt  }
0x54: {  	_ =	shalt  }
0x55: {  	_ =	shalt  }
0x56: {  	_ =	shalt  }
0x57: {  	_ =	shalt  }
0x58: {  	_ =	shalt  }
0x59: {  	_ =	shalt  }
0x5a: {  	_ =	shalt  }
0x5b: {  	_ =	shalt  }
0x5c: {  	_ =	shalt  }
0x5d: {  	_ =	shalt  }
0x5e: {  	_ =	shalt  }
0x5f: {  	_ =	shalt  }
0x60: {  	_ =	shalt  }
0x61: {  	_ =	shalt  }
0x62: {  	_ =	shalt  }
0x63: {  	_ =	shalt  }
0x64: {  	_ =	shalt  }
0x65: {  	_ =	shalt  }
0x66: {  	_ =	shalt  }
0x67: {  	_ =	shalt  }
0x68: {  	_ =	shalt  }
0x69: {  	_ =	shalt  }
0x6a: {  	_ =	shalt  }
0x6b: {  	_ =	shalt  }
0x6c: {  	_ =	shalt  }
0x6d: {  	_ =	shalt  }
0x6e: {  	_ =	shalt  }
0x6f: {  	_ =	shalt  }
0x70: {  	_ =	shalt  }
0x71: {  	_ =	shalt  }
0x72: {  	_ =	shalt  }
0x73: {  	_ =	shalt  }
0x74: {  	_ =	shalt  }
0x75: {  	_ =	shalt  }
0x76: {  	_ =	shalt  }
0x77: {  	_ =	shalt  }
0x78: {  	_ =	shalt  }
0x79: {  	_ =	shalt  }
0x7a: {  	_ =	shalt  }
0x7b: {  	_ =	shalt  }
0x7c: {  	_ =	shalt  }
0x7d: {  	_ =	shalt  }
0x7e: {  	_ =	shalt  }
0x7f: {  	_ =	shalt  }
0x80: {  	_ =	shalt  }
0x81: {  	_ =	shalt  }
0x82: {  	_ =	shalt  }
0x83: {  	_ =	shalt  }
0x84: {  	_ =	shalt  }
0x85: {  	_ =	shalt  }
0x86: {  	_ =	shalt  }
0x87: {  	_ =	shalt  }
.Lfunc_end0:
.L_simem_size_0:
called_computation_lowered:
.L_overlay_start_0:
0x88: {  	s2 =	sld [smem:$0x3FD9]  }
0x89: {  	s3 =	sld [smem:$0x3FFE];
	_ =	sdelay $0x1  }
0x8a: {  	s1 =	srdreg.scid  }
0x8b: {  	s0 =	sand.u32 $0x1, s1  }
0x8c: {  	s17 =	sshll.u32 s0, $0xA;
	s2 =	sadd.s32 s3, s2  }
0x8d: {  	s2 =	sadd.s32 s2, s17  }
0x8e: {  	[smem:$0x3FC6] =	sst s2  }
0x8f: {  	_ = 	snop  }
0x90: {  	s2 =	sld [smem:$0x3FD0];
	(tm) =	ssettm $0x1  }
0x91: {  	s18 =	sld [smem:$0x3FFB];
	_ =	sdelay $0x3  }
0x92: {  	_ =	strace s18  }
0x93: {  	s3 =	sld [smem:$0x3FFC];
	_ =	sdelay $0x3  }
0x94: {  	_ =	strace s3  }
0x95: {  	s3 =	sld [smem:$0x3FFD];
	_ =	sdelay $0x3  }
0x96: {  	_ =	strace s3  }
0x97: {  	_ =	strace $0x8FFFFFFF  }
0x98: {  	s19 =	sld [smem:$0x3FDB];
	_ =	sdelay $0x1  }
0x99: {  	s4 =	simm.s32 $_scs_section_size  }
0x9a: {  	s5 =	simm.s32 $_size__tile_overlayer_lowered;
	s6 =	simm.s32 $_tile_overlayer_lowered  }
0x9b: {  	s22 =	simm.s32 $0x1BFF;
	s21 =	sshll.u32 s6, $0x1;
	s3 =	sadd.s32 s4, s19  }
0x9c: {  	s7 =	simm.s32 $0x0;
	s20 =	sshll.u32 s5, $0x1;
	s5 =	sadd.s32 s21, s3  }
0x9d: {  	[timem:s7], [sflag:s22] =	dma.local [hbm:s5], s20  }
0x9e: {  	_ =	swait.ge [sflag:s22], s20  }
0x9f: {  	s4 =	ssub.s32 $0x0, s20;
	[sflag:s22] =	ssyncset.done $0x0  }
0xa0: {  	[sflag:s22] =	ssyncadd.s32 s4;
	_ =	sdelay $0x1  }
0xa1: {  	s23 =	simm.s32 $0x1B8B  }
0xa2: {  	_ =	swait.ge [sflag:s23], $0x1  }
0xa3: {  	[sflag:s23] =	ssyncset.done $0x0  }
0xa4: {  	s25 =	simm.s32 $0x1B8E;
	s24 =	sld [smem:$0x3FFE];
	[sflag:s23] =	ssyncadd.s32 $0xFFFFFFFF  }
0xa5: {  	s26 =	simm.s32 $execute0_lowered;
	[smem:$0x3FD2] =	sst s25  }
0xa6: {  	s5 =	sshll.u32 s26, $0x1;
	_ =	strace $0x80000046;
	[dreg:$0x1] =	wrdreg $0xFFFFFFFF  }
0xa7: {  	s28 =	simm.s32 $_size_execute0_lowered;
	s3 =	sadd.s32 s3, s5;
	[dreg:$0x0] =	wrdreg $0x0  }
0xa8: {  	s5 =	sshll.u32 s28, $0x1;
	[dreg:$0x2] =	wrdreg s3  }
0xa9: {  	[dreg:$0x3] =	wrdreg s5  }
0xaa: {  	[dreg:$0x4] =	wrdreg $0xC0  }
0xab: {  	_ =	task [dreg:s7], $0x5FFFF  }
0xac: {  	[dreg:$0x1] =	wrdreg $0xFFFFFFFF  }
0xad: {  	[dreg:$0x0] =	wrdreg $0x60  }
0xae: {  	[dreg:$0x2] =	wrdreg s2  }
0xaf: {  	[dreg:$0x3] =	wrdreg s24  }
0xb0: {  	[dreg:$0x4] =	wrdreg $0x9  }
0xb1: {  	_ =	task.clear_ibuf [dreg:s7], $0x5FFFF;
	_ =	strace $0x90000046  }
0xb2: {  	s29 =	simm.s32 $0x9;
	_ =	strace $0x80000048  }
0xb3: {  	_ =	swait.ge [sflag:s29], $0x1  }
0xb4: {  	[sflag:s29] =	ssyncadd.s32 $0xFFFFFFFF  }
0xb5: {  	_ =	strace $0x90000048  }
0xb6: {  	_ =	sfence  }
0xb7: {  	s30 =	sld [smem:$0x0];
	_ =	sdelay $0x2  }
0xb8: {  	s31 =	sshll.u32 s1, $0xD;
	s1 =	sshrl.u32 s1, $0x2  }
0xb9: {  	s3 =	sand.u32 $0x4000, s31;
	s1 =	sadd.s32 s1, s30  }
0xba: {  	s0 =	sor.u32 s3, s0;
	s1 =	sshll.u32 s1, $0x11  }
0xbb: {  	s0 =	sor.u32 s1, s0  }
0xbc: {  	s0 =	sadd.s32 $0x8F2B, s0  }
0xbd: {  	[sflag:s0] =	ssyncadd.remote.s32 $0x1  }
0xbe: {  	_ =	sfence.sel $0xFFFF  }
0xbf: {  	[dreg:$0x0] =	wrdreg $0xFFFFFFFF;
	(pc) =	sbr.abs _section_cstart, $3  }
0xc0: {  	[dreg:$0x1] =	wrdreg $0xFFFFFFFF  }
0xc1: {  	_ =	task.clear_ibuf [dreg:s7], $0x2FFFF;
	_ =	strace $0x9FFFFFFF  }
0xc2: {  	(tm) =	ssettm $0x7FFFFFFF  }
0xc3: {  	_ =	shalt  }
tec
execute0_lowered:
.L_overlay_start_1:
0x0: {  	(tag) =	ssettag $0x1  }
0x1: {  	s4 =	rddreg [dreg:$0x0]  }
0x2: {  	s5 =	rddreg [dreg:$0x1]  }
0x3: {  	s0 =	rddreg [dreg:$0x2];
	s2 =	simm.s32 $0x0;
	s1 =	stileid.u32  }
0x4: {  	s6 =	srdreg.scid;
	s11 =	simm.s32 $0x0;
	[smem:$0x7FF] =	sst s2  }
0x5: {  	s3 =	sadd.s32 $0x400, s5;
	s7 =	sshll.u32 s1, $0x12;
	s6 =	sand.u32 $0x1, s6  }
0x6: {  	s9 =	sshll.u32 s1, $0x10;
	_ =	strace $0x80000047;
	s8 =	ssub.s32 $0x2, s6  }
0x7: {  	s10 =	sshll.u32 s6, $0xF;
	s7 =	sadd.s32 s7, s5;
	s6 =	sshll.u32 s6, $0x11  }
0x8: {  	s30 =	sshrl.u32 s8, $0x1;
	s9 =	sor.u32 s10, s9;
	s6 =	sadd.s32 s6, s7  }
0x9: {  	s7 =	simm.s32 $0x2;
	s10 =	simm.s32 $0x1;
	s5 =	ssub.s32 s8, s30  }
0xa: {  	s31 =	sshrl.u32 s9, $0x3;
	s6 =	sadd.s32 $0x3E0400, s6;
	s8 =	simm.s32 $0x800  }
0xb: {  	s9 =	simm.s32 $0x8000;
	s4 =	sadd.s32 s4, s31;
	s5 =	smax.u32 s5, $0x1  }
.LBB2_1:
0xc: {  	[tilespmem:s2], [sflag:$0x2] =	stream.linear.gather [hbm4b:s4+s2], $0x8000, $0x38;
	[tilespmem:$0x18000] =	vst v63  }
0xd: {  	_ =	swait.ge [sflag:s7], $0x8000  }
0xe: {  	[sflag:s7] =	ssyncset.done $0x0  }
0xf: {  	s12 =	simm.s32 $0x0;
	[sflag:s7] =	ssyncadd.s32 $0xFFFF8000  }
0x10: {  	[tilespmem:s9], [sflag:$0x1] =	stream.indirect.gather [hbm4b:s3+s8], $0x20, s12, s8, $0xb8;
	[tilespmem:$0x18000] =	vst v63  }
0x11: {  	_ =	swait.ge [sflag:s10], $0x10000  }
0x12: {  	[sflag:s10] =	ssyncset.done $0x0  }
0x13: {  	s31 =	sadd.s32 $0x0, s6;
	[sflag:s10] =	ssyncadd.s32 $0xFFFF0000  }
0x14: {  	[hbm4b:s31+s2] =	stream.linear.scatter [tilespmem:s9], [sflag:$0x2], $0x10000, $0x38;
	[tilespmem:$0x18000] =	vst v63  }
0x15: {  	_ =	swait.ge [sflag:s7], $0x10000  }
0x16: {  	s13 =	simm.s32 $0x4000;
	s12 =	simm.s32 $0x2000;
	[sflag:s7] =	ssyncset.done $0x0  }
.LBB2_2:
0x17: {  	s14 =	sshra.s32 s12, $0x2  }
0x18: {  	[sflag:s7] =	ssyncadd.s32 $0xFFFF0000;
	s15 =	smov.u32 s13;
	s16 =	sadd.s32 $0x2000, s13  }
0x19: {  	[tilespmem:s9], [sflag:$0x1] =	stream.indirect.gather [hbm4b:s3+s8], $0x20, s14, s8, $0xb8;
	[tilespmem:$0x18000] =	vst v63  }
0x1a: {  	p0 =	sne.s32 s13, $0x1E000;
	_ =	swait.ge [sflag:s10], $0x10000  }
.Ltmp0:
0x1b: {  	[sflag:s10] =	ssyncset.done $0x0;
	(pc) =	sbr.rel @p0 .LBB2_2-.Ltmp0, $4  }
0x1c: {  	s13 =	sadd.s32 s12, s6;
	s12 =	smov.u32 s15;
	[sflag:s10] =	ssyncadd.s32 $0xFFFF0000  }
0x1d: {  	[hbm4b:s13+s2] =	stream.linear.scatter [tilespmem:s9], [sflag:$0x2], $0x10000, $0x38;
	[tilespmem:$0x18000] =	vst v63  }
0x1e: {  	_ =	swait.ge [sflag:s7], $0x10000  }
0x1f: {  	s13 =	smov.u32 s16;
	[sflag:s7] =	ssyncset.done $0x0  }
0x20: {  	s13 =	sshra.s32 s12, $0x2;
	[sflag:s7] =	ssyncadd.s32 $0xFFFF0000  }
0x21: {  	[tilespmem:s9], [sflag:$0x1] =	stream.indirect.gather [hbm4b:s3+s8], $0x20, s13, s8, $0xb8;
	[tilespmem:$0x18000] =	vst v63  }
0x22: {  	s11 =	sadd.s32 $0x1, s11;
	_ =	swait.ge [sflag:s10], $0x10000  }
0x23: {  	p0 =	sne.s32 s11, s5;
	[sflag:s10] =	ssyncset.done $0x0  }
.Ltmp1:
0x24: {  	s31 =	sadd.s32 s12, s6;
	[sflag:s10] =	ssyncadd.s32 $0xFFFF0000;
	(pc) =	sbr.rel @p0 .LBB2_1-.Ltmp1, $4  }
0x25: {  	[hbm4b:s31+s2] =	stream.linear.scatter [tilespmem:s9], [sflag:$0x2], $0x10000, $0x38;
	[tilespmem:$0x18000] =	vst v63  }
0x26: {  	_ =	swait.ge [sflag:s7], $0x10000  }
0x27: {  	[sflag:s7] =	ssyncset.done $0x0  }
0x28: {  	[sflag:s7] =	ssyncadd.s32 $0xFFFF0000  }
0x29: {  	_ =	sfence.sel $0x180000  }
0x2a: {  	[bflag:$0x0] =	sbarrier.arrive $0xFFFF  }
0x2b: {  	p0 =	sne.s32 s1, $0x0;
	_ =	strace $0x90000047  }
0x2c: {  	s0 =	sadd.s32 @!p0 $0x100000, s0;
	[bflag:$0x2] =	sbarrier.arrive $0xFFFF  }
0x2d: {  	[sflag:s0] =	ssyncadd.tile.s32 @!p0 $0x1;
	_ =	shalt  }
.Lfunc_end2:
_tile_overlayer_lowered:
.L_overlay_start_2:
0x2e: {  	(tag) =	ssettag $0x2  }
0x2f: {  	s0 =	rddreg [dreg:$0x0];
	s2 =	stileid.u32  }
0x30: {  	s1 =	rddreg [dreg:$0x1];
	p0 =	sne.s32 s2, $0x0  }
0x31: {  	s3 =	rddreg [dreg:$0x2];
	[bflag:$0x3] =	sbarrier.arrive $0xFFFF;
	s2 =	simm.s32 @!p0 $0x1C02  }
0x32: {  	[timem:s3], [sflag:s2] =	dma.local @!p0 [hbm:s0], s1  }
0x33: {  	s0 =	simm.s32 @!p0 $0x2  }
0x34: {  	_ =	swait.ge @!p0 [sflag:s0], s1  }
0x35: {  	s1 =	ssub.s32 @!p0 $0x0, s1;
	[sflag:s0] =	ssyncset.done @!p0 $0x0  }
0x36: {  	[sflag:s0] =	ssyncadd.s32 @!p0 s1  }
0x37: {  	[bflag:$0x3] =	sbarrier.arrive $0xFFFF  }
0x38: {  	_ =	shalt  }

</sc_bundles>
